<compile_context>
chip_gen: v7x
topology: tpu7x:2x2x1
jax: 0.10.2.dev20260603
libtpu: 0.0.44.dev20260713+nightly
codegen_flags: <defaults>
</compile_context>

<pallas_src>
import functools

import jax
import jax.numpy as jnp
from jax import lax
from jax.experimental import pallas as pl
from jax.experimental.pallas import tpu as pltpu
from jax.experimental.pallas import tpu_sc as plsc

B = 16384
D = 128
C = 1000
NC = 2
NS = 16
NW = NC * NS
CHUNK = 128
CP = 1024
CROWS = CP // NS

B_SC = 8192
B_TC = B - B_SC
ROWS_SC = B_SC // NW
NCHUNK_SC = ROWS_SC // CHUNK
LROWS = B // CHUNK // NW
K_TC = 2048


def _sc_segment_sum(features, labels2d):
    mesh = plsc.VectorSubcoreMesh(core_axis_name="c", subcore_axis_name="s")

    @functools.partial(
        pl.kernel,
        mesh=mesh,
        compiler_params=pltpu.CompilerParams(needs_layout_passes=False),
        out_type=(
            jax.ShapeDtypeStruct((NC, CP, D), jnp.float32),
            jax.ShapeDtypeStruct((NW, CP), jnp.float32),
        ),
        scratch_types=[
            pltpu.VMEM((ROWS_SC, D), jnp.float32),
            pltpu.VMEM((NCHUNK_SC, CHUNK), jnp.int32),
            pltpu.VMEM((LROWS, CHUNK), jnp.int32),
            pltpu.VMEM((CP,), jnp.float32),
            pltpu.VMEM((CROWS, D), jnp.float32),
            pltpu.VMEM_SHARED((CP, D), jnp.float32),
            pltpu.SemaphoreType.DMA,
            [pltpu.SemaphoreType.DMA] * NCHUNK_SC,
            pltpu.SemaphoreType.DMA,
        ],
    )
    def k(feat_hbm, lbl_hbm, sum_out, cnt_out,
          feat_v, lbls_v, lblc_v, cnt_v, zs_v, acc_s, sem_l, sems_f, sem_s):
        cid = lax.axis_index("c")
        sid = lax.axis_index("s")
        wid = cid * NS + sid
        base = wid * ROWS_SC

        lcop = pltpu.async_copy(
            lbl_hbm.at[pl.ds(wid * LROWS, LROWS)], lblc_v, sem_l)
        fcops = [
            pltpu.async_copy(
                feat_hbm.at[pl.ds(base + j * CHUNK, CHUNK)],
                feat_v.at[pl.ds(j * CHUNK, CHUNK)], sems_f[j])
            for j in range(NCHUNK_SC)
        ]
        scop = pltpu.async_copy(
            lbl_hbm.at[pl.ds(wid * NCHUNK_SC, NCHUNK_SC)], lbls_v, sem_l)

        zeros16 = jnp.zeros((16,), jnp.float32)
        ones16 = jnp.ones((16,), jnp.float32)

        def fill_zs(i, _):
            for j in range(D // 16):
                zs_v[i, pl.ds(j * 16, 16)] = zeros16
            return 0

        lax.fori_loop(0, CROWS, fill_zs, 0)

        def fill_zc(i, _):
            cnt_v[pl.ds(i * 16, 16)] = zeros16
            return 0

        lax.fori_loop(0, CP // 16, fill_zc, 0)

        pltpu.sync_copy(zs_v, acc_s.at[pl.ds(sid * CROWS, CROWS)])

        lcop.wait()

        def count_step(v, _):
            lbl16 = lblc_v[v // 8, pl.ds((v % 8) * 16, 16)]
            plsc.addupdate_scatter(cnt_v, [lbl16], ones16)
            return 0

        lax.fori_loop(0, LROWS * 8, count_step, 0)

        scop.wait()
        plsc.subcore_barrier()

        scats = []
        for j in range(NCHUNK_SC):
            fcops[j].wait()
            scats.append(pltpu.async_copy(
                feat_v.at[pl.ds(j * CHUNK, CHUNK)],
                acc_s.at[lbls_v.at[j]], sem_s, add=True))
        for s in scats:
            s.wait()

        plsc.subcore_barrier()

        r0 = sid * CROWS
        pltpu.sync_copy(acc_s.at[pl.ds(r0, CROWS)],
                        sum_out.at[cid, pl.ds(r0, CROWS)])
        pltpu.sync_copy(cnt_v, cnt_out.at[wid])

    return k(features, labels2d)


def _tc_segment_sum(features, labels_row):
    steps = B_TC // K_TC
    off = B_SC // K_TC

    def body(lbl_ref, feat_ref, o_ref):
        step = pl.program_id(0)
        cls = lax.broadcasted_iota(jnp.int32, (CP, 1), 0)
        lbl = lbl_ref[...]
        oh = jnp.where(lbl == cls, 1.0, 0.0).astype(jnp.bfloat16)
        feat = feat_ref[...].astype(jnp.bfloat16)
        p = jax.lax.dot_general(
            oh, feat, (((1,), (0,)), ((), ())),
            preferred_element_type=jnp.float32)

        @pl.when(step == 0)
        def _():
            o_ref[...] = p

        @pl.when(step > 0)
        def _():
            o_ref[...] += p

    return pl.pallas_call(
        body,
        grid=(steps,),
        in_specs=[
            pl.BlockSpec((1, K_TC), lambda i: (0, off + i)),
            pl.BlockSpec((K_TC, D), lambda i: (off + i, 0)),
        ],
        out_specs=pl.BlockSpec((CP, D), lambda i: (0, 0)),
        out_shape=jax.ShapeDtypeStruct((CP, D), jnp.float32),
    )(labels_row, features)


def _combine(psum, tcsum, pcnt):
    HB = CP // 2

    def gbody(ps_ref, ts_ref, pc_ref, o_ref):
        s = ps_ref[0] + ps_ref[1] + ts_ref[...]
        c = jnp.sum(pc_ref[...], axis=0, keepdims=True)
        ct = jnp.transpose(c, (1, 0))
        o_ref[...] = jnp.where(ct > 0, s / jnp.maximum(ct, 1.0),
                               jnp.zeros_like(s))

    return pl.pallas_call(
        gbody,
        grid=(2,),
        in_specs=[
            pl.BlockSpec((NC, HB, D), lambda i: (0, i, 0)),
            pl.BlockSpec((HB, D), lambda i: (i, 0)),
            pl.BlockSpec((NW, HB), lambda i: (0, i)),
        ],
        out_specs=pl.BlockSpec((HB, D), lambda i: (i, 0)),
        out_shape=jax.ShapeDtypeStruct((C, D), jnp.float32),
    )(psum, tcsum, pcnt)


def kernel(features, labels):
    labels2d = labels.reshape(B // CHUNK, CHUNK)
    labels_row = labels.reshape(1, B)
    psum, pcnt = _sc_segment_sum(features, labels2d)
    tcsum = _tc_segment_sum(features, labels_row)
    return _combine(psum, tcsum, pcnt)

# --- scband reference (transcript-rebuilt; emitter-appended) ---
"""Pipeline reference for scband-prototype-bank-50491635532082 (READ-ONLY COPY).

The authoritative reference and input builder live on the scoring server;
editing this copy changes nothing except your own understanding.
"""

import jax, jax.numpy as jnp
import numpy as np

NUM_CLASSES = 1000
FEATURE_DIM = 128
BATCH = 16384
MOMENTUM = 0.9

def setup_inputs(seed: int = 0) -> dict:
    key = jax.random.key(seed)
    k1, k2 = jax.random.split(key)
    features = jax.random.normal(k1, (BATCH, FEATURE_DIM), dtype=jnp.float32)
    labels = jax.random.randint(k2, (BATCH,), 0, NUM_CLASSES, dtype=jnp.int32)
    return {"features": features, "labels": labels}

def reference(features, labels):
    # PrototypeBank.update on the first (uninitialized) call:
    # prototypes[c] = mean of features where labels == c (if any), else stays zero.
    # Implemented as a segment-sum scatter-add followed by count normalization,
    # which is mathematically identical to the per-class masked-mean loop.
    sums = jax.ops.segment_sum(features, labels, num_segments=NUM_CLASSES)
    cnts = jax.ops.segment_sum(jnp.ones((features.shape[0],), dtype=jnp.float32), labels, num_segments=NUM_CLASSES)
    safe = jnp.maximum(cnts, 1.0)
    prototypes = jnp.where(cnts[:, None] > 0, sums / safe[:, None], jnp.zeros_like(sums))
    # get_prototypes() returns the updated prototype buffer
    return prototypes

if __name__ == "__main__":
    import jax
    _d = setup_inputs()
    print(jax.jit(kernel)(*tuple(_d.values())))

</pallas_src>

<mosaic_0001>
#map = affine_map<(d0, d1) -> (0, 0)>
#map1 = affine_map<(d0, d1) -> (0, 0, 0)>
module attributes {stable_mosaic.version = 14 : i64} {
  func.func @k(%arg0: i32, %arg1: i32, %arg2: memref<16384x128xf32, #tpu.memory_space<hbm>>, %arg3: memref<128x128xi32, #tpu.memory_space<hbm>>, %arg4: memref<2x1024x128xf32, #tpu.memory_space<hbm>>, %arg5: memref<32x1024xf32, #tpu.memory_space<hbm>>, %arg6: memref<256x128xf32, #tpu.memory_space<vmem>>, %arg7: memref<2x128xi32, #tpu.memory_space<vmem>>, %arg8: memref<4x128xi32, #tpu.memory_space<vmem>>, %arg9: memref<1024xf32, #tpu.memory_space<vmem>>, %arg10: memref<64x128xf32, #tpu.memory_space<vmem>>, %arg11: memref<1024x128xf32, #tpu.memory_space<vmem_shared>>, %arg12: memref<!tpu.dma_semaphore, #tpu.memory_space<semaphore_mem>>, %arg13: memref<!tpu.dma_semaphore, #tpu.memory_space<semaphore_mem>>, %arg14: memref<!tpu.dma_semaphore, #tpu.memory_space<semaphore_mem>>, %arg15: memref<!tpu.dma_semaphore, #tpu.memory_space<semaphore_mem>>) attributes {dimension_semantics = [#tpu.dimension_semantics<core_parallel>, #tpu.dimension_semantics<subcore_parallel>], iteration_bounds = array<i64: 2, 16>, scalar_prefetch = 0 : i64, scratch_operands = 10 : i64, tpu.core_type = #tpu.core_type<sc_vector_subcore>, window_params = [{transform_indices = #map}, {transform_indices = #map}, {transform_indices = #map1}, {transform_indices = #map}]} {
    %mul3A = arith.constant 16 : i32
    %mul3A_0 = arith.muli %arg0, %mul3A : i32
    %add3A = arith.addi %mul3A_0, %arg1 : i32
    %mul3A_1 = arith.constant 256 : i32
    %mul3A_2 = arith.muli %add3A, %mul3A_1 : i32
    %mul3A_3 = arith.constant 4 : i32
    %mul3A_4 = arith.muli %add3A, %mul3A_3 : i32
    %dma_start3A = arith.constant 0 : i32
    %dma_start3A_5 = tpu.memref_slice %arg3[%mul3A_4, %dma_start3A] : memref<128x128xi32, #tpu.memory_space<hbm>> -> memref<4x128xi32, #tpu.memory_space<hbm>>
    %dma_start3A_6 = arith.constant 0 : i32
    %dma_start3A_7 = tpu.memref_slice %arg3[%mul3A_4, %dma_start3A_6] : memref<128x128xi32, #tpu.memory_space<hbm>> -> memref<4x128xi32, #tpu.memory_space<hbm>>
    tpu.enqueue_dma source(%dma_start3A_7 : memref<4x128xi32, #tpu.memory_space<hbm>>) target(%arg8 : memref<4x128xi32, #tpu.memory_space<vmem>>) target_semaphore(%arg12 : memref<!tpu.dma_semaphore, #tpu.memory_space<semaphore_mem>>)
    %add3A_8 = arith.constant 0 : i32
    %add3A_9 = arith.addi %mul3A_2, %add3A_8 : i32
    %dma_start3A_10 = arith.constant 0 : i32
    %dma_start3A_11 = arith.constant 0 : i32
    %dma_start3A_12 = tpu.memref_slice %arg6[%dma_start3A_10, %dma_start3A_11] : memref<256x128xf32, #tpu.memory_space<vmem>> -> memref<128x128xf32, #tpu.memory_space<vmem>>
    %dma_start3A_13 = arith.constant 0 : i32
    %dma_start3A_14 = tpu.memref_slice %arg2[%add3A_9, %dma_start3A_13] : memref<16384x128xf32, #tpu.memory_space<hbm>> -> memref<128x128xf32, #tpu.memory_space<hbm>>
    %dma_start3A_15 = arith.constant 0 : i32
    %dma_start3A_16 = arith.constant 0 : i32
    %dma_start3A_17 = tpu.memref_slice %arg6[%dma_start3A_15, %dma_start3A_16] : memref<256x128xf32, #tpu.memory_space<vmem>> -> memref<128x128xf32, #tpu.memory_space<vmem>>
    %dma_start3A_18 = arith.constant 0 : i32
    %dma_start3A_19 = tpu.memref_slice %arg2[%add3A_9, %dma_start3A_18] : memref<16384x128xf32, #tpu.memory_space<hbm>> -> memref<128x128xf32, #tpu.memory_space<hbm>>
    tpu.enqueue_dma source(%dma_start3A_19 : memref<128x128xf32, #tpu.memory_space<hbm>>) target(%dma_start3A_17 : memref<128x128xf32, #tpu.memory_space<vmem>>) target_semaphore(%arg13 : memref<!tpu.dma_semaphore, #tpu.memory_space<semaphore_mem>>)
    %add3A_20 = arith.constant 128 : i32
    %add3A_21 = arith.addi %mul3A_2, %add3A_20 : i32
    %dma_start3A_22 = arith.constant 128 : i32
    %dma_start3A_23 = arith.constant 0 : i32
    %dma_start3A_24 = tpu.memref_slice %arg6[%dma_start3A_22, %dma_start3A_23] : memref<256x128xf32, #tpu.memory_space<vmem>> -> memref<128x128xf32, #tpu.memory_space<vmem>>
    %dma_start3A_25 = arith.constant 0 : i32
    %dma_start3A_26 = tpu.memref_slice %arg2[%add3A_21, %dma_start3A_25] : memref<16384x128xf32, #tpu.memory_space<hbm>> -> memref<128x128xf32, #tpu.memory_space<hbm>>
    %dma_start3A_27 = arith.constant 128 : i32
    %dma_start3A_28 = arith.constant 0 : i32
    %dma_start3A_29 = tpu.memref_slice %arg6[%dma_start3A_27, %dma_start3A_28] : memref<256x128xf32, #tpu.memory_space<vmem>> -> memref<128x128xf32, #tpu.memory_space<vmem>>
    %dma_start3A_30 = arith.constant 0 : i32
    %dma_start3A_31 = tpu.memref_slice %arg2[%add3A_21, %dma_start3A_30] : memref<16384x128xf32, #tpu.memory_space<hbm>> -> memref<128x128xf32, #tpu.memory_space<hbm>>
    tpu.enqueue_dma source(%dma_start3A_31 : memref<128x128xf32, #tpu.memory_space<hbm>>) target(%dma_start3A_29 : memref<128x128xf32, #tpu.memory_space<vmem>>) target_semaphore(%arg14 : memref<!tpu.dma_semaphore, #tpu.memory_space<semaphore_mem>>)
    %mul3A_32 = arith.constant 2 : i32
    %mul3A_33 = arith.muli %add3A, %mul3A_32 : i32
    %dma_start3A_34 = arith.constant 0 : i32
    %dma_start3A_35 = tpu.memref_slice %arg3[%mul3A_33, %dma_start3A_34] : memref<128x128xi32, #tpu.memory_space<hbm>> -> memref<2x128xi32, #tpu.memory_space<hbm>>
    %dma_start3A_36 = arith.constant 0 : i32
    %dma_start3A_37 = tpu.memref_slice %arg3[%mul3A_33, %dma_start3A_36] : memref<128x128xi32, #tpu.memory_space<hbm>> -> memref<2x128xi32, #tpu.memory_space<hbm>>
    tpu.enqueue_dma source(%dma_start3A_37 : memref<2x128xi32, #tpu.memory_space<hbm>>) target(%arg7 : memref<2x128xi32, #tpu.memory_space<vmem>>) target_semaphore(%arg12 : memref<!tpu.dma_semaphore, #tpu.memory_space<semaphore_mem>>)
    %broadcast_in_dim3A = arith.constant 0.000000e+00 : f32
    %broadcast_in_dim3A_38 = vector.broadcast %broadcast_in_dim3A : f32 to vector<16xf32>
    %broadcast_in_dim3A_39 = arith.constant 1.000000e+00 : f32
    %broadcast_in_dim3A_40 = vector.broadcast %broadcast_in_dim3A_39 : f32 to vector<16xf32>
    %scan3A = arith.constant 0 : i32
    %scan3A_41 = arith.constant 0 : i32
    %scan3A_42 = arith.constant 64 : i32
    %scan3A_43 = arith.addi %scan3A_41, %scan3A_42 : i32
    %scan3A_44 = arith.constant 1 : i32
    %scan3A_45 = scf.for %scan3A_133 = %scan3A_41 to %scan3A_43 step %scan3A_44 iter_args(%scan3A_134 = %scan3A) -> (i32)  : i32 {
      %swap3A = arith.index_cast %scan3A_133 : i32 to index
      %swap3A_135 = arith.constant 0 : index
      %swap3A_136 = tpu.vector_load %arg10[%swap3A, %swap3A_135] {strides = array<i32>} : memref<64x128xf32, #tpu.memory_space<vmem>>, vector<16xf32>,
      tpu.vector_store %arg10[%swap3A, %swap3A_135], %broadcast_in_dim3A_38 {strides = array<i32>} : memref<64x128xf32, #tpu.memory_space<vmem>>, vector<16xf32>,
      %swap3A_137 = arith.index_cast %scan3A_133 : i32 to index
      %swap3A_138 = arith.constant 16 : index
      %swap3A_139 = tpu.vector_load %arg10[%swap3A_137, %swap3A_138] {strides = array<i32>} : memref<64x128xf32, #tpu.memory_space<vmem>>, vector<16xf32>,
      tpu.vector_store %arg10[%swap3A_137, %swap3A_138], %broadcast_in_dim3A_38 {strides = array<i32>} : memref<64x128xf32, #tpu.memory_space<vmem>>, vector<16xf32>,
      %swap3A_140 = arith.index_cast %scan3A_133 : i32 to index
      %swap3A_141 = arith.constant 32 : index
      %swap3A_142 = tpu.vector_load %arg10[%swap3A_140, %swap3A_141] {strides = array<i32>} : memref<64x128xf32, #tpu.memory_space<vmem>>, vector<16xf32>,
      tpu.vector_store %arg10[%swap3A_140, %swap3A_141], %broadcast_in_dim3A_38 {strides = array<i32>} : memref<64x128xf32, #tpu.memory_space<vmem>>, vector<16xf32>,
      %swap3A_143 = arith.index_cast %scan3A_133 : i32 to index
      %swap3A_144 = arith.constant 48 : index
      %swap3A_145 = tpu.vector_load %arg10[%swap3A_143, %swap3A_144] {strides = array<i32>} : memref<64x128xf32, #tpu.memory_space<vmem>>, vector<16xf32>,
      tpu.vector_store %arg10[%swap3A_143, %swap3A_144], %broadcast_in_dim3A_38 {strides = array<i32>} : memref<64x128xf32, #tpu.memory_space<vmem>>, vector<16xf32>,
      %swap3A_146 = arith.index_cast %scan3A_133 : i32 to index
      %swap3A_147 = arith.constant 64 : index
      %swap3A_148 = tpu.vector_load %arg10[%swap3A_146, %swap3A_147] {strides = array<i32>} : memref<64x128xf32, #tpu.memory_space<vmem>>, vector<16xf32>,
      tpu.vector_store %arg10[%swap3A_146, %swap3A_147], %broadcast_in_dim3A_38 {strides = array<i32>} : memref<64x128xf32, #tpu.memory_space<vmem>>, vector<16xf32>,
      %swap3A_149 = arith.index_cast %scan3A_133 : i32 to index
      %swap3A_150 = arith.constant 80 : index
      %swap3A_151 = tpu.vector_load %arg10[%swap3A_149, %swap3A_150] {strides = array<i32>} : memref<64x128xf32, #tpu.memory_space<vmem>>, vector<16xf32>,
      tpu.vector_store %arg10[%swap3A_149, %swap3A_150], %broadcast_in_dim3A_38 {strides = array<i32>} : memref<64x128xf32, #tpu.memory_space<vmem>>, vector<16xf32>,
      %swap3A_152 = arith.index_cast %scan3A_133 : i32 to index
      %swap3A_153 = arith.constant 96 : index
      %swap3A_154 = tpu.vector_load %arg10[%swap3A_152, %swap3A_153] {strides = array<i32>} : memref<64x128xf32, #tpu.memory_space<vmem>>, vector<16xf32>,
      tpu.vector_store %arg10[%swap3A_152, %swap3A_153], %broadcast_in_dim3A_38 {strides = array<i32>} : memref<64x128xf32, #tpu.memory_space<vmem>>, vector<16xf32>,
      %swap3A_155 = arith.index_cast %scan3A_133 : i32 to index
      %swap3A_156 = arith.constant 112 : index
      %swap3A_157 = tpu.vector_load %arg10[%swap3A_155, %swap3A_156] {strides = array<i32>} : memref<64x128xf32, #tpu.memory_space<vmem>>, vector<16xf32>,
      tpu.vector_store %arg10[%swap3A_155, %swap3A_156], %broadcast_in_dim3A_38 {strides = array<i32>} : memref<64x128xf32, #tpu.memory_space<vmem>>, vector<16xf32>,
      %scan3A_158 = arith.constant 0 : i32
      scf.yield %scan3A_158 : i32
    }
    %scan3A_46 = arith.constant 64 : i32
    %scan3A_47 = arith.constant 0 : i32
    %scan3A_48 = arith.constant 0 : i32
    %scan3A_49 = arith.constant 64 : i32
    %scan3A_50 = arith.addi %scan3A_48, %scan3A_49 : i32
    %scan3A_51 = arith.constant 1 : i32
    %scan3A_52 = scf.for %scan3A_133 = %scan3A_48 to %scan3A_50 step %scan3A_51 iter_args(%scan3A_134 = %scan3A_47) -> (i32)  : i32 {
      %mul3A_135 = arith.constant 16 : i32
      %mul3A_136 = arith.muli %scan3A_133, %mul3A_135 : i32
      %swap3A = arith.index_cast %mul3A_136 : i32 to index
      %swap3A_137 = tpu.vector_load %arg9[%swap3A] {strides = array<i32>} : memref<1024xf32, #tpu.memory_space<vmem>>, vector<16xf32>,
      tpu.vector_store %arg9[%swap3A], %broadcast_in_dim3A_38 {strides = array<i32>} : memref<1024xf32, #tpu.memory_space<vmem>>, vector<16xf32>,
      %scan3A_138 = arith.constant 0 : i32
      scf.yield %scan3A_138 : i32
    }
    %scan3A_53 = arith.constant 64 : i32
    %mul3A_54 = arith.constant 64 : i32
    %mul3A_55 = arith.muli %arg1, %mul3A_54 : i32
    "tpu.region"() ({
      %run_scoped3A = tpu.sem_alloc : memref<!tpu.dma_semaphore, #tpu.memory_space<semaphore_mem>>
      %dma_start3A_133 = arith.constant 0 : i32
      %dma_start3A_134 = tpu.memref_slice %arg11[%mul3A_55, %dma_start3A_133] : memref<1024x128xf32, #tpu.memory_space<vmem_shared>> -> memref<64x128xf32, #tpu.memory_space<vmem_shared>>
      %dma_start3A_135 = arith.constant 0 : i32
      %dma_start3A_136 = tpu.memref_slice %arg11[%mul3A_55, %dma_start3A_135] : memref<1024x128xf32, #tpu.memory_space<vmem_shared>> -> memref<64x128xf32, #tpu.memory_space<vmem_shared>>
      tpu.enqueue_dma source(%arg10 : memref<64x128xf32, #tpu.memory_space<vmem>>) target(%dma_start3A_136 : memref<64x128xf32, #tpu.memory_space<vmem_shared>>) target_semaphore(%run_scoped3A : memref<!tpu.dma_semaphore, #tpu.memory_space<semaphore_mem>>)
      %dma_wait3A_137 = arith.constant 0 : i32
      %dma_wait3A_138 = tpu.memref_slice %arg11[%mul3A_55, %dma_wait3A_137] : memref<1024x128xf32, #tpu.memory_space<vmem_shared>> -> memref<64x128xf32, #tpu.memory_space<vmem_shared>>
      %dma_wait3A_139 = arith.constant 0 : i32
      %dma_wait3A_140 = tpu.memref_slice %arg11[%mul3A_55, %dma_wait3A_139] : memref<1024x128xf32, #tpu.memory_space<vmem_shared>> -> memref<64x128xf32, #tpu.memory_space<vmem_shared>>
      tpu.wait_dma2 semaphore(%run_scoped3A : memref<!tpu.dma_semaphore, #tpu.memory_space<semaphore_mem>>) src(%arg10 : memref<64x128xf32, #tpu.memory_space<vmem>>) dst(%dma_wait3A_140 : memref<64x128xf32, #tpu.memory_space<vmem_shared>>)
      tpu.yield
    }) : () -> ()
    %dma_wait3A = arith.constant 0 : i32
    %dma_wait3A_56 = tpu.memref_slice %arg3[%mul3A_4, %dma_wait3A] : memref<128x128xi32, #tpu.memory_space<hbm>> -> memref<4x128xi32, #tpu.memory_space<hbm>>
    %dma_wait3A_57 = arith.constant 0 : i32
    %dma_wait3A_58 = tpu.memref_slice %arg3[%mul3A_4, %dma_wait3A_57] : memref<128x128xi32, #tpu.memory_space<hbm>> -> memref<4x128xi32, #tpu.memory_space<hbm>>
    tpu.wait_dma2 semaphore(%arg12 : memref<!tpu.dma_semaphore, #tpu.memory_space<semaphore_mem>>) src(%dma_wait3A_58 : memref<4x128xi32, #tpu.memory_space<hbm>>) dst(%arg8 : memref<4x128xi32, #tpu.memory_space<vmem>>)
    %scan3A_59 = arith.constant 0 : i32
    %scan3A_60 = arith.constant 0 : i32
    %scan3A_61 = arith.constant 32 : i32
    %scan3A_62 = arith.addi %scan3A_60, %scan3A_61 : i32
    %scan3A_63 = arith.constant 1 : i32
    %scan3A_64 = scf.for %scan3A_133 = %scan3A_60 to %scan3A_62 step %scan3A_63 iter_args(%scan3A_134 = %scan3A_59) -> (i32)  : i32 {
      %jit3A = arith.constant 8 : i32
      %div3A = arith.divsi %scan3A_133, %jit3A : i32
      %sign3A = arith.constant 0 : i32
      %sign3A_135 = arith.cmpi sgt, %scan3A_133, %sign3A : i32
      %sign3A_136 = arith.extui %sign3A_135 : i1 to i32
      %sign3A_137 = arith.constant 0 : i32
      %sign3A_138 = arith.cmpi slt, %scan3A_133, %sign3A_137 : i32
      %sign3A_139 = arith.extui %sign3A_138 : i1 to i32
      %sign3A_140 = arith.subi %sign3A_136, %sign3A_139 : i32
      %sign3A_141 = arith.constant 0 : i32
      %sign3A_142 = arith.cmpi sgt, %jit3A, %sign3A_141 : i32
      %sign3A_143 = arith.extui %sign3A_142 : i1 to i32
      %sign3A_144 = arith.constant 0 : i32
      %sign3A_145 = arith.cmpi slt, %jit3A, %sign3A_144 : i32
      %sign3A_146 = arith.extui %sign3A_145 : i1 to i32
      %sign3A_147 = arith.subi %sign3A_143, %sign3A_146 : i32
      %ne3A = arith.cmpi ne, %sign3A_140, %sign3A_147 : i32
      %rem3A = arith.remsi %scan3A_133, %jit3A : i32
      %ne3A_148 = arith.constant 0 : i32
      %ne3A_149 = arith.cmpi ne, %rem3A, %ne3A_148 : i32
      %and3A = arith.andi %ne3A, %ne3A_149 : i1
      %sub3A = arith.constant 1 : i32
      %sub3A_150 = arith.subi %div3A, %sub3A : i32
      %select_n3A = arith.select %and3A, %sub3A_150, %div3A : i32
      %jit3A_151 = arith.constant 8 : i32
      %eq3A = arith.constant 0 : i32
      %eq3A_152 = arith.cmpi eq, %jit3A_151, %eq3A : i32
      %jit3A_153 = arith.constant 1 : i32
      %select_n3A_154 = arith.select %eq3A_152, %jit3A_153, %jit3A_151 : i32
      %rem3A_155 = arith.remsi %scan3A_133, %select_n3A_154 : i32
      %ne3A_156 = arith.constant 0 : i32
      %ne3A_157 = arith.cmpi ne, %rem3A_155, %ne3A_156 : i32
      %lt3A = arith.constant 0 : i32
      %lt3A_158 = arith.cmpi slt, %rem3A_155, %lt3A : i32
      %lt3A_159 = arith.constant 0 : i32
      %lt3A_160 = arith.cmpi slt, %select_n3A_154, %lt3A_159 : i32
      %ne3A_161 = arith.xori %lt3A_158, %lt3A_160 : i1
      %and3A_162 = arith.andi %ne3A_161, %ne3A_157 : i1
      %add3A_163 = arith.addi %rem3A_155, %select_n3A_154 : i32
      %select_n3A_164 = arith.select %and3A_162, %add3A_163, %rem3A_155 : i32
      %mul3A_165 = arith.constant 16 : i32
      %mul3A_166 = arith.muli %select_n3A_164, %mul3A_165 : i32
      %get3A = arith.index_cast %select_n3A : i32 to index
      %get3A_167 = arith.index_cast %mul3A_166 : i32 to index
      %get3A_168 = tpu.vector_load %arg8[%get3A, %get3A_167] {strides = array<i32>} : memref<4x128xi32, #tpu.memory_space<vmem>>, vector<16xi32>,
      tpu.vector_store_idx %arg9[%get3A_168], %broadcast_in_dim3A_40 {add = true} : memref<1024xf32, #tpu.memory_space<vmem>>[vector<16xi32>], vector<16xf32>,
      %scan3A_169 = arith.constant 0 : i32
      scf.yield %scan3A_169 : i32
    }
    %scan3A_65 = arith.constant 32 : i32
    %dma_wait3A_66 = arith.constant 0 : i32
    %dma_wait3A_67 = tpu.memref_slice %arg3[%mul3A_33, %dma_wait3A_66] : memref<128x128xi32, #tpu.memory_space<hbm>> -> memref<2x128xi32, #tpu.memory_space<hbm>>
    %dma_wait3A_68 = arith.constant 0 : i32
    %dma_wait3A_69 = tpu.memref_slice %arg3[%mul3A_33, %dma_wait3A_68] : memref<128x128xi32, #tpu.memory_space<hbm>> -> memref<2x128xi32, #tpu.memory_space<hbm>>
    tpu.wait_dma2 semaphore(%arg12 : memref<!tpu.dma_semaphore, #tpu.memory_space<semaphore_mem>>) src(%dma_wait3A_69 : memref<2x128xi32, #tpu.memory_space<hbm>>) dst(%arg7 : memref<2x128xi32, #tpu.memory_space<vmem>>)
    %barrier3A = arith.constant 0 : index
    tpu.barrier barrier_id(%barrier3A)
    %dma_wait3A_70 = arith.constant 0 : i32
    %dma_wait3A_71 = arith.constant 0 : i32
    %dma_wait3A_72 = tpu.memref_slice %arg6[%dma_wait3A_70, %dma_wait3A_71] : memref<256x128xf32, #tpu.memory_space<vmem>> -> memref<128x128xf32, #tpu.memory_space<vmem>>
    %dma_wait3A_73 = arith.constant 0 : i32
    %dma_wait3A_74 = tpu.memref_slice %arg2[%add3A_9, %dma_wait3A_73] : memref<16384x128xf32, #tpu.memory_space<hbm>> -> memref<128x128xf32, #tpu.memory_space<hbm>>
    %dma_wait3A_75 = arith.constant 0 : i32
    %dma_wait3A_76 = arith.constant 0 : i32
    %dma_wait3A_77 = tpu.memref_slice %arg6[%dma_wait3A_75, %dma_wait3A_76] : memref<256x128xf32, #tpu.memory_space<vmem>> -> memref<128x128xf32, #tpu.memory_space<vmem>>
    %dma_wait3A_78 = arith.constant 0 : i32
    %dma_wait3A_79 = tpu.memref_slice %arg2[%add3A_9, %dma_wait3A_78] : memref<16384x128xf32, #tpu.memory_space<hbm>> -> memref<128x128xf32, #tpu.memory_space<hbm>>
    tpu.wait_dma2 semaphore(%arg13 : memref<!tpu.dma_semaphore, #tpu.memory_space<semaphore_mem>>) src(%dma_wait3A_79 : memref<128x128xf32, #tpu.memory_space<hbm>>) dst(%dma_wait3A_77 : memref<128x128xf32, #tpu.memory_space<vmem>>)
    %dma_start3A_80 = arith.constant 0 : i32
    %dma_start3A_81 = arith.constant 0 : i32
    %dma_start3A_82 = arith.constant 0 : i32
    %dma_start3A_83 = tpu.memref_slice %arg6[%dma_start3A_81, %dma_start3A_82] : memref<256x128xf32, #tpu.memory_space<vmem>> -> memref<128x128xf32, #tpu.memory_space<vmem>>
    %dma_start3A_84 = arith.constant 0 : i32
    %dma_start3A_85 = tpu.memref_slice %arg7[%dma_start3A_80, %dma_start3A_84] : memref<2x128xi32, #tpu.memory_space<vmem>> -> memref<1x128xi32, #tpu.memory_space<vmem>>
    %dma_start3A_86 = tpu.memref_squeeze %dma_start3A_85 : memref<1x128xi32, #tpu.memory_space<vmem>> -> memref<128xi32, #tpu.memory_space<vmem>>
    %dma_start3A_87 = arith.constant 0 : i32
    %dma_start3A_88 = arith.constant 0 : i32
    %dma_start3A_89 = tpu.memref_slice %arg11[%dma_start3A_87, %dma_start3A_88] : memref<1024x128xf32, #tpu.memory_space<vmem_shared>> -> memref<1024x128xf32, #tpu.memory_space<vmem_shared>>
    tpu.enqueue_indirect_dma source(%dma_start3A_83 : memref<128x128xf32, #tpu.memory_space<vmem>>) target(%dma_start3A_89 : memref<1024x128xf32, #tpu.memory_space<vmem_shared>>) offsets(%dma_start3A_86 : memref<128xi32, #tpu.memory_space<vmem>>) semaphore(%arg15 : memref<!tpu.dma_semaphore, #tpu.memory_space<semaphore_mem>>) {add = true}
    %dma_wait3A_90 = arith.constant 128 : i32
    %dma_wait3A_91 = arith.constant 0 : i32
    %dma_wait3A_92 = tpu.memref_slice %arg6[%dma_wait3A_90, %dma_wait3A_91] : memref<256x128xf32, #tpu.memory_space<vmem>> -> memref<128x128xf32, #tpu.memory_space<vmem>>
    %dma_wait3A_93 = arith.constant 0 : i32
    %dma_wait3A_94 = tpu.memref_slice %arg2[%add3A_21, %dma_wait3A_93] : memref<16384x128xf32, #tpu.memory_space<hbm>> -> memref<128x128xf32, #tpu.memory_space<hbm>>
    %dma_wait3A_95 = arith.constant 128 : i32
    %dma_wait3A_96 = arith.constant 0 : i32
    %dma_wait3A_97 = tpu.memref_slice %arg6[%dma_wait3A_95, %dma_wait3A_96] : memref<256x128xf32, #tpu.memory_space<vmem>> -> memref<128x128xf32, #tpu.memory_space<vmem>>
    %dma_wait3A_98 = arith.constant 0 : i32
    %dma_wait3A_99 = tpu.memref_slice %arg2[%add3A_21, %dma_wait3A_98] : memref<16384x128xf32, #tpu.memory_space<hbm>> -> memref<128x128xf32, #tpu.memory_space<hbm>>
    tpu.wait_dma2 semaphore(%arg14 : memref<!tpu.dma_semaphore, #tpu.memory_space<semaphore_mem>>) src(%dma_wait3A_99 : memref<128x128xf32, #tpu.memory_space<hbm>>) dst(%dma_wait3A_97 : memref<128x128xf32, #tpu.memory_space<vmem>>)
    %dma_start3A_100 = arith.constant 1 : i32
    %dma_start3A_101 = arith.constant 128 : i32
    %dma_start3A_102 = arith.constant 0 : i32
    %dma_start3A_103 = tpu.memref_slice %arg6[%dma_start3A_101, %dma_start3A_102] : memref<256x128xf32, #tpu.memory_space<vmem>> -> memref<128x128xf32, #tpu.memory_space<vmem>>
    %dma_start3A_104 = arith.constant 0 : i32
    %dma_start3A_105 = tpu.memref_slice %arg7[%dma_start3A_100, %dma_start3A_104] : memref<2x128xi32, #tpu.memory_space<vmem>> -> memref<1x128xi32, #tpu.memory_space<vmem>>
    %dma_start3A_106 = tpu.memref_squeeze %dma_start3A_105 : memref<1x128xi32, #tpu.memory_space<vmem>> -> memref<128xi32, #tpu.memory_space<vmem>>
    %dma_start3A_107 = arith.constant 0 : i32
    %dma_start3A_108 = arith.constant 0 : i32
    %dma_start3A_109 = tpu.memref_slice %arg11[%dma_start3A_107, %dma_start3A_108] : memref<1024x128xf32, #tpu.memory_space<vmem_shared>> -> memref<1024x128xf32, #tpu.memory_space<vmem_shared>>
    tpu.enqueue_indirect_dma source(%dma_start3A_103 : memref<128x128xf32, #tpu.memory_space<vmem>>) target(%dma_start3A_109 : memref<1024x128xf32, #tpu.memory_space<vmem_shared>>) offsets(%dma_start3A_106 : memref<128xi32, #tpu.memory_space<vmem>>) semaphore(%arg15 : memref<!tpu.dma_semaphore, #tpu.memory_space<semaphore_mem>>) {add = true}
    %dma_wait3A_110 = arith.constant 0 : i32
    %dma_wait3A_111 = arith.constant 0 : i32
    %dma_wait3A_112 = arith.constant 0 : i32
    %dma_wait3A_113 = tpu.memref_slice %arg6[%dma_wait3A_111, %dma_wait3A_112] : memref<256x128xf32, #tpu.memory_space<vmem>> -> memref<128x128xf32, #tpu.memory_space<vmem>>
    %dma_wait3A_114 = arith.constant 0 : i32
    %dma_wait3A_115 = tpu.memref_slice %arg7[%dma_wait3A_110, %dma_wait3A_114] : memref<2x128xi32, #tpu.memory_space<vmem>> -> memref<1x128xi32, #tpu.memory_space<vmem>>
    %dma_wait3A_116 = tpu.memref_squeeze %dma_wait3A_115 : memref<1x128xi32, #tpu.memory_space<vmem>> -> memref<128xi32, #tpu.memory_space<vmem>>
    %dma_wait3A_117 = arith.constant 0 : i32
    %dma_wait3A_118 = arith.constant 0 : i32
    %dma_wait3A_119 = tpu.memref_slice %arg11[%dma_wait3A_117, %dma_wait3A_118] : memref<1024x128xf32, #tpu.memory_space<vmem_shared>> -> memref<1024x128xf32, #tpu.memory_space<vmem_shared>>
    tpu.wait_indirect_dma semaphore(%arg15 : memref<!tpu.dma_semaphore, #tpu.memory_space<semaphore_mem>>) src(%dma_wait3A_113 : memref<128x128xf32, #tpu.memory_space<vmem>>) dst(%dma_wait3A_119 : memref<1024x128xf32, #tpu.memory_space<vmem_shared>>)
    %dma_wait3A_120 = arith.constant 1 : i32
    %dma_wait3A_121 = arith.constant 128 : i32
    %dma_wait3A_122 = arith.constant 0 : i32
    %dma_wait3A_123 = tpu.memref_slice %arg6[%dma_wait3A_121, %dma_wait3A_122] : memref<256x128xf32, #tpu.memory_space<vmem>> -> memref<128x128xf32, #tpu.memory_space<vmem>>
    %dma_wait3A_124 = arith.constant 0 : i32
    %dma_wait3A_125 = tpu.memref_slice %arg7[%dma_wait3A_120, %dma_wait3A_124] : memref<2x128xi32, #tpu.memory_space<vmem>> -> memref<1x128xi32, #tpu.memory_space<vmem>>
    %dma_wait3A_126 = tpu.memref_squeeze %dma_wait3A_125 : memref<1x128xi32, #tpu.memory_space<vmem>> -> memref<128xi32, #tpu.memory_space<vmem>>
    %dma_wait3A_127 = arith.constant 0 : i32
    %dma_wait3A_128 = arith.constant 0 : i32
    %dma_wait3A_129 = tpu.memref_slice %arg11[%dma_wait3A_127, %dma_wait3A_128] : memref<1024x128xf32, #tpu.memory_space<vmem_shared>> -> memref<1024x128xf32, #tpu.memory_space<vmem_shared>>
    tpu.wait_indirect_dma semaphore(%arg15 : memref<!tpu.dma_semaphore, #tpu.memory_space<semaphore_mem>>) src(%dma_wait3A_123 : memref<128x128xf32, #tpu.memory_space<vmem>>) dst(%dma_wait3A_129 : memref<1024x128xf32, #tpu.memory_space<vmem_shared>>)
    %barrier3A_130 = arith.constant 0 : index
    tpu.barrier barrier_id(%barrier3A_130)
    %mul3A_131 = arith.constant 64 : i32
    %mul3A_132 = arith.muli %arg1, %mul3A_131 : i32
    "tpu.region"() ({
      %run_scoped3A = tpu.sem_alloc : memref<!tpu.dma_semaphore, #tpu.memory_space<semaphore_mem>>
      %dma_start3A_133 = arith.constant 0 : i32
      %dma_start3A_134 = tpu.memref_slice %arg4[%arg0, %mul3A_132, %dma_start3A_133] : memref<2x1024x128xf32, #tpu.memory_space<hbm>> -> memref<1x64x128xf32, #tpu.memory_space<hbm>>
      %dma_start3A_135 = tpu.memref_squeeze %dma_start3A_134 : memref<1x64x128xf32, #tpu.memory_space<hbm>> -> memref<64x128xf32, #tpu.memory_space<hbm>>
      %dma_start3A_136 = arith.constant 0 : i32
      %dma_start3A_137 = tpu.memref_slice %arg11[%mul3A_132, %dma_start3A_136] : memref<1024x128xf32, #tpu.memory_space<vmem_shared>> -> memref<64x128xf32, #tpu.memory_space<vmem_shared>>
      tpu.enqueue_dma source(%dma_start3A_137 : memref<64x128xf32, #tpu.memory_space<vmem_shared>>) target(%dma_start3A_135 : memref<64x128xf32, #tpu.memory_space<hbm>>) target_semaphore(%run_scoped3A : memref<!tpu.dma_semaphore, #tpu.memory_space<semaphore_mem>>)
      %dma_wait3A_138 = arith.constant 0 : i32
      %dma_wait3A_139 = tpu.memref_slice %arg4[%arg0, %mul3A_132, %dma_wait3A_138] : memref<2x1024x128xf32, #tpu.memory_space<hbm>> -> memref<1x64x128xf32, #tpu.memory_space<hbm>>
      %dma_wait3A_140 = tpu.memref_squeeze %dma_wait3A_139 : memref<1x64x128xf32, #tpu.memory_space<hbm>> -> memref<64x128xf32, #tpu.memory_space<hbm>>
      %dma_wait3A_141 = arith.constant 0 : i32
      %dma_wait3A_142 = tpu.memref_slice %arg11[%mul3A_132, %dma_wait3A_141] : memref<1024x128xf32, #tpu.memory_space<vmem_shared>> -> memref<64x128xf32, #tpu.memory_space<vmem_shared>>
      tpu.wait_dma2 semaphore(%run_scoped3A : memref<!tpu.dma_semaphore, #tpu.memory_space<semaphore_mem>>) src(%dma_wait3A_142 : memref<64x128xf32, #tpu.memory_space<vmem_shared>>) dst(%dma_wait3A_140 : memref<64x128xf32, #tpu.memory_space<hbm>>)
      tpu.yield
    }) : () -> ()
    "tpu.region"() ({
      %run_scoped3A = tpu.sem_alloc : memref<!tpu.dma_semaphore, #tpu.memory_space<semaphore_mem>>
      %dma_start3A_133 = arith.constant 0 : i32
      %dma_start3A_134 = tpu.memref_slice %arg5[%add3A, %dma_start3A_133] : memref<32x1024xf32, #tpu.memory_space<hbm>> -> memref<1x1024xf32, #tpu.memory_space<hbm>>
      %dma_start3A_135 = tpu.memref_squeeze %dma_start3A_134 : memref<1x1024xf32, #tpu.memory_space<hbm>> -> memref<1024xf32, #tpu.memory_space<hbm>>
      %dma_start3A_136 = arith.constant 0 : i32
      %dma_start3A_137 = tpu.memref_slice %arg5[%add3A, %dma_start3A_136] : memref<32x1024xf32, #tpu.memory_space<hbm>> -> memref<1x1024xf32, #tpu.memory_space<hbm>>
      %dma_start3A_138 = tpu.memref_squeeze %dma_start3A_137 : memref<1x1024xf32, #tpu.memory_space<hbm>> -> memref<1024xf32, #tpu.memory_space<hbm>>
      tpu.enqueue_dma source(%arg9 : memref<1024xf32, #tpu.memory_space<vmem>>) target(%dma_start3A_138 : memref<1024xf32, #tpu.memory_space<hbm>>) target_semaphore(%run_scoped3A : memref<!tpu.dma_semaphore, #tpu.memory_space<semaphore_mem>>)
      %dma_wait3A_139 = arith.constant 0 : i32
      %dma_wait3A_140 = tpu.memref_slice %arg5[%add3A, %dma_wait3A_139] : memref<32x1024xf32, #tpu.memory_space<hbm>> -> memref<1x1024xf32, #tpu.memory_space<hbm>>
      %dma_wait3A_141 = tpu.memref_squeeze %dma_wait3A_140 : memref<1x1024xf32, #tpu.memory_space<hbm>> -> memref<1024xf32, #tpu.memory_space<hbm>>
      %dma_wait3A_142 = arith.constant 0 : i32
      %dma_wait3A_143 = tpu.memref_slice %arg5[%add3A, %dma_wait3A_142] : memref<32x1024xf32, #tpu.memory_space<hbm>> -> memref<1x1024xf32, #tpu.memory_space<hbm>>
      %dma_wait3A_144 = tpu.memref_squeeze %dma_wait3A_143 : memref<1x1024xf32, #tpu.memory_space<hbm>> -> memref<1024xf32, #tpu.memory_space<hbm>>
      tpu.wait_dma2 semaphore(%run_scoped3A : memref<!tpu.dma_semaphore, #tpu.memory_space<semaphore_mem>>) src(%arg9 : memref<1024xf32, #tpu.memory_space<vmem>>) dst(%dma_wait3A_144 : memref<1024xf32, #tpu.memory_space<hbm>>)
      tpu.yield
    }) : () -> ()
    return
  }
}

module attributes {stable_mosaic.version = 14 : i64} {
  func.func @body(%arg0: i32, %arg1: memref<1x2048xi32, #tpu.memory_space<vmem>>, %arg2: memref<2048x128xf32, #tpu.memory_space<vmem>>, %arg3: memref<1024x128xf32, #tpu.memory_space<vmem>>) attributes {dimension_semantics = [#tpu.dimension_semantics<arbitrary>], iteration_bounds = array<i64: 4>, scalar_prefetch = 0 : i64, scratch_operands = 0 : i64, tpu.core_type = #tpu.core_type<tc>, window_params = [{transform_indices = @transform_0, window_bounds = array<i64: 1, 2048>}, {transform_indices = @transform_1, window_bounds = array<i64: 2048, 128>}, {pipeline_mode = #tpu.pipeline_mode<synchronous>, transform_indices = @transform_2, window_bounds = array<i64: 1024, 128>}]} {
    %iota3A = tpu.iota {dimensions = array<i32: 0>} : vector<1024x1xi32>
    %get3A = arith.constant 0 : index
    %get3A_0 = arith.constant 0 : index
    %get3A_1 = vector.load %arg1[%get3A, %get3A_0] : memref<1x2048xi32, #tpu.memory_space<vmem>>, vector<1x2048xi32>
    %eq3A = vector.broadcast %get3A_1 : vector<1x2048xi32> to vector<1024x2048xi32>
    %eq3A_2 = vector.broadcast %iota3A : vector<1024x1xi32> to vector<1024x2048xi32>
    %eq3A_3 = arith.cmpi eq, %eq3A, %eq3A_2 : vector<1024x2048xi32>
    %jit3A = arith.constant 1.000000e+00 : f32
    %jit3A_4 = arith.constant 0.000000e+00 : f32
    %broadcast_in_dim3A = vector.broadcast %jit3A : f32 to vector<1024x2048xf32>
    %broadcast_in_dim3A_5 = vector.broadcast %jit3A_4 : f32 to vector<1024x2048xf32>
    %select_n3A = arith.select %eq3A_3, %broadcast_in_dim3A, %broadcast_in_dim3A_5 : vector<1024x2048xi1>, vector<1024x2048xf32>
    %convert_element_type3A = arith.truncf %select_n3A : vector<1024x2048xf32> to vector<1024x2048xbf16>
    %get3A_6 = arith.constant 0 : index
    %get3A_7 = arith.constant 0 : index
    %get3A_8 = vector.load %arg2[%get3A_6, %get3A_7] : memref<2048x128xf32, #tpu.memory_space<vmem>>, vector<2048x128xf32>
    %convert_element_type3A_9 = arith.truncf %get3A_8 : vector<2048x128xf32> to vector<2048x128xbf16>
    %dot_general3A = arith.constant dense<0.000000e+00> : vector<1024x128xf32>
    %dot_general3A_10 = tpu.matmul %convert_element_type3A, %convert_element_type3A_9, %dot_general3A {dimension_numbers = #tpu.dot_dimension_numbers<[1], [0], [0], [1], [0, 0, 1, 1], [], []>, transpose_lhs_hint = false} : vector<1024x2048xbf16>, vector<2048x128xbf16>, vector<1024x128xf32> -> vector<1024x128xf32>
    %eq3A_11 = arith.constant 0 : i32
    %eq3A_12 = arith.cmpi eq, %arg0, %eq3A_11 : i32
    %convert_element_type3A_13 = arith.extui %eq3A_12 : i1 to i32
    %cond3A = arith.constant 0 : i32
    %cond3A_14 = arith.cmpi ne, %convert_element_type3A_13, %cond3A : i32
    scf.if %cond3A_14 {
      %swap3A = arith.constant 0 : index
      %swap3A_19 = arith.constant 0 : index
      %swap3A_20 = vector.load %arg3[%swap3A, %swap3A_19] : memref<1024x128xf32, #tpu.memory_space<vmem>>, vector<1024x128xf32>
      tpu.vector_store %arg3[%swap3A, %swap3A_19], %dot_general3A_10 {strides = array<i32>} : memref<1024x128xf32, #tpu.memory_space<vmem>>, vector<1024x128xf32>,
    } else {
    }
    %gt3A = arith.constant 0 : i32
    %gt3A_15 = arith.cmpi sgt, %arg0, %gt3A : i32
    %convert_element_type3A_16 = arith.extui %gt3A_15 : i1 to i32
    %cond3A_17 = arith.constant 0 : i32
    %cond3A_18 = arith.cmpi ne, %convert_element_type3A_16, %cond3A_17 : i32
    scf.if %cond3A_18 {
      %get3A_19 = arith.constant 0 : index
      %get3A_20 = arith.constant 0 : index
      %get3A_21 = vector.load %arg3[%get3A_19, %get3A_20] : memref<1024x128xf32, #tpu.memory_space<vmem>>, vector<1024x128xf32>
      %add3A = arith.addf %get3A_21, %dot_general3A_10 : vector<1024x128xf32>
      %swap3A = arith.constant 0 : index
      %swap3A_22 = arith.constant 0 : index
      %swap3A_23 = vector.load %arg3[%swap3A, %swap3A_22] : memref<1024x128xf32, #tpu.memory_space<vmem>>, vector<1024x128xf32>
      tpu.vector_store %arg3[%swap3A, %swap3A_22], %add3A {strides = array<i32>} : memref<1024x128xf32, #tpu.memory_space<vmem>>, vector<1024x128xf32>,
    } else {
    }
    return
  }
  func.func @transform_0(%arg0: i32) -> (i32, i32) {
    %add3A = arith.constant 4 : i32
    %add3A_0 = arith.addi %add3A, %arg0 : i32
    %c0_i32 = arith.constant 0 : i32
    %c0_i32_1 = arith.constant 0 : i32
    return %c0_i32, %add3A_0 : i32, i32
  }
  func.func @transform_1(%arg0: i32) -> (i32, i32) {
    %add3A = arith.constant 4 : i32
    %add3A_0 = arith.addi %add3A, %arg0 : i32
    %c0_i32 = arith.constant 0 : i32
    %c0_i32_1 = arith.constant 0 : i32
    return %add3A_0, %c0_i32 : i32, i32
  }
  func.func @transform_2(%arg0: i32) -> (i32, i32) {
    %c0_i32 = arith.constant 0 : i32
    %c0_i32_0 = arith.constant 0 : i32
    %c0_i32_1 = arith.constant 0 : i32
    return %c0_i32, %c0_i32_0 : i32, i32
  }
}

module attributes {stable_mosaic.version = 14 : i64} {
  func.func @gbody(%arg0: i32, %arg1: memref<2x512x128xf32, #tpu.memory_space<vmem>>, %arg2: memref<512x128xf32, #tpu.memory_space<vmem>>, %arg3: memref<32x512xf32, #tpu.memory_space<vmem>>, %arg4: memref<512x128xf32, #tpu.memory_space<vmem>>) attributes {dimension_semantics = [#tpu.dimension_semantics<arbitrary>], iteration_bounds = array<i64: 2>, scalar_prefetch = 0 : i64, scratch_operands = 0 : i64, tpu.core_type = #tpu.core_type<tc>, window_params = [{transform_indices = @transform_0, window_bounds = array<i64: 2, 512, 128>}, {transform_indices = @transform_1, window_bounds = array<i64: 512, 128>}, {transform_indices = @transform_2, window_bounds = array<i64: 32, 512>}, {transform_indices = @transform_3, window_bounds = array<i64: 512, 128>}]} {
    %get3A = arith.constant 0 : index
    %get3A_0 = arith.constant 0 : index
    %get3A_1 = arith.constant 0 : index
    %get3A_2 = vector.load %arg1[%get3A, %get3A_0, %get3A_1] : memref<2x512x128xf32, #tpu.memory_space<vmem>>, vector<1x512x128xf32>
    %get3A_3 = vector.shape_cast %get3A_2 : vector<1x512x128xf32> to vector<512x128xf32>
    %get3A_4 = arith.constant 1 : index
    %get3A_5 = arith.constant 0 : index
    %get3A_6 = arith.constant 0 : index
    %get3A_7 = vector.load %arg1[%get3A_4, %get3A_5, %get3A_6] : memref<2x512x128xf32, #tpu.memory_space<vmem>>, vector<1x512x128xf32>
    %get3A_8 = vector.shape_cast %get3A_7 : vector<1x512x128xf32> to vector<512x128xf32>
    %add3A = arith.addf %get3A_3, %get3A_8 : vector<512x128xf32>
    %get3A_9 = arith.constant 0 : index
    %get3A_10 = arith.constant 0 : index
    %get3A_11 = vector.load %arg2[%get3A_9, %get3A_10] : memref<512x128xf32, #tpu.memory_space<vmem>>, vector<512x128xf32>
    %add3A_12 = arith.addf %add3A, %get3A_11 : vector<512x128xf32>
    %get3A_13 = arith.constant 0 : index
    %get3A_14 = arith.constant 0 : index
    %get3A_15 = vector.load %arg3[%get3A_13, %get3A_14] : memref<32x512xf32, #tpu.memory_space<vmem>>, vector<32x512xf32>
    %reduce_sum3A = arith.constant dense<0.000000e+00> : vector<512xf32>
    %reduce_sum3A_16 = vector.multi_reduction <add>, %get3A_15, %reduce_sum3A [0] : vector<32x512xf32> to vector<512xf32>
    %broadcast_in_dim3A = vector.shape_cast %reduce_sum3A_16 : vector<512xf32> to vector<1x512xf32>
    %transpose3A = tpu.transpose %broadcast_in_dim3A, [1, 0] : vector<1x512xf32> -> vector<512x1xf32>
    %gt3A = arith.constant 0.000000e+00 : f32
    %gt3A_17 = vector.broadcast %gt3A : f32 to vector<512x1xf32>
    %gt3A_18 = arith.cmpf ogt, %transpose3A, %gt3A_17 : vector<512x1xf32>
    %max3A = arith.constant 1.000000e+00 : f32
    %max3A_19 = vector.broadcast %max3A : f32 to vector<512x1xf32>
    %max3A_20 = arith.maximumf %transpose3A, %max3A_19 : vector<512x1xf32>
    %div3A = vector.broadcast %max3A_20 : vector<512x1xf32> to vector<512x128xf32>
    %div3A_21 = arith.divf %add3A_12, %div3A : vector<512x128xf32>
    %broadcast_in_dim3A_22 = arith.constant 0.000000e+00 : f32
    %broadcast_in_dim3A_23 = vector.broadcast %broadcast_in_dim3A_22 : f32 to vector<512x128xf32>
    %broadcast_in_dim3A_24 = vector.shape_cast %gt3A_18 : vector<512x1xi1> to vector<512x1xi1>
    %broadcast_in_dim3A_25 = vector.broadcast %broadcast_in_dim3A_24 : vector<512x1xi1> to vector<512x128xi1>
    %select_n3A = arith.select %broadcast_in_dim3A_25, %div3A_21, %broadcast_in_dim3A_23 : vector<512x128xi1>, vector<512x128xf32>
    %swap3A = arith.constant 0 : index
    %swap3A_26 = arith.constant 0 : index
    %swap3A_27 = vector.load %arg4[%swap3A, %swap3A_26] : memref<512x128xf32, #tpu.memory_space<vmem>>, vector<512x128xf32>
    tpu.vector_store %arg4[%swap3A, %swap3A_26], %select_n3A {strides = array<i32>} : memref<512x128xf32, #tpu.memory_space<vmem>>, vector<512x128xf32>,
    return
  }
  func.func @transform_0(%arg0: i32) -> (i32, i32, i32) {
    %c0_i32 = arith.constant 0 : i32
    %c0_i32_0 = arith.constant 0 : i32
    %c0_i32_1 = arith.constant 0 : i32
    return %c0_i32, %arg0, %c0_i32_0 : i32, i32, i32
  }
  func.func @transform_1(%arg0: i32) -> (i32, i32) {
    %c0_i32 = arith.constant 0 : i32
    %c0_i32_0 = arith.constant 0 : i32
    return %arg0, %c0_i32 : i32, i32
  }
  func.func @transform_2(%arg0: i32) -> (i32, i32) {
    %c0_i32 = arith.constant 0 : i32
    %c0_i32_0 = arith.constant 0 : i32
    return %c0_i32, %arg0 : i32, i32
  }
  func.func @transform_3(%arg0: i32) -> (i32, i32) {
    %c0_i32 = arith.constant 0 : i32
    %c0_i32_0 = arith.constant 0 : i32
    return %arg0, %c0_i32 : i32, i32
  }
}

</mosaic_0001>

<sc_bundles>
// kernel: kernel.5.cloned.1.call-start
scs
__scs_entry_jumppad:
0x0: {  	(pc) =	sbr.rel $0x88, $3  }
0x1: {  	(tag) =	ssettag $0x0;
	lr =	simm.s32 $0x1  }
0x2: {  	[smem:$0x3F9F] =	sst lr;
	_ =	strace $0xD0000000  }
0x3: {  	_ = 	snop  }
0x4: {  	_ = 	snop  }
0x5: {  	_ = 	snop  }
0x6: {  	_ = 	snop  }
0x7: {  	_ = 	snop  }
__scs_overlays_trampoline_lowered:
0x8: {  	[smem:$0x3FAE] =	sst s0  }
0x9: {  	[smem:$0x3FAF] =	sst s1  }
0xa: {  	[smem:$0x3FB0] =	sst s2  }
0xb: {  	[smem:$0x3FB1] =	sst s3  }
0xc: {  	[smem:$0x3FB2] =	sst s4  }
0xd: {  	[smem:$0x3FB3] =	sst s5  }
0xe: {  	[smem:$0x3FB4] =	sst s6  }
0xf: {  	[smem:$0x3FB5] =	sst s7  }
0x10: {  	[smem:$0x3FB6] =	sst s8  }
0x11: {  	[smem:$0x3FB7] =	sst s9;
	s0 =	simm.s32 @!p0 $0x0  }
0x12: {  	s1 =	sld [smem:$0x3F9D];
	s0 =	simm.s32 @p0 $0x1  }
0x13: {  	[smem:$0x3FB8] =	sst s0;
	s0 =	simm.s32 @!p1 $0x0  }
0x14: {  	s2 =	sld [smem:$0x3F9C];
	s0 =	simm.s32 @p1 $0x1  }
0x15: {  	[smem:$0x3FB9] =	sst s0;
	s0 =	simm.s32 @!p2 $0x0  }
0x16: {  	s3 =	sld [smem:$0x3FDB];
	s0 =	simm.s32 @p2 $0x1  }
0x17: {  	s4 =	simm.s32 $0x1BF5;
	[smem:$0x3FBB] =	sst s0  }
0x18: {  	s0 =	sld [smem:$0x3F9E];
	_ =	swait.ge [sflag:s4], $0x0  }
0x19: {  	s7 =	sld [smem:$0x3F9F]  }
0x1a: {  	s8 =	sadd.s32 $0xFFFFE003, lr  }
0x1b: {  	s9 =	sadd.s32 $0xFFFFFEF7, lr;
	s5 =	simm.s32 $0xFFFFFFFF;
	p2 =	slt.u32 s8, $0xFFFFF086  }
0x1c: {  	p1 =	slt.u32 s9, $0xF7A;
	s5 =	simm.s32 @!p2 $0x0  }
0x1d: {  	s5 =	simm.s32 @p1 $0x1;
	p0 =	seq.s32 s7, s2  }
0x1e: {  	s7 =	smul.u32 @!p0 $0xF7A, s2;
	p2 =	seq.s32 @!p0 s5, $0x0  }
0x1f: {  	s9 =	smul.u32 $0xF7A, s1;
	s8 =	simm.s32 @!p0 $0x1BF5;
	p2 =	por !p2, p0  }
0x20: {  	[sflag:s8] =	ssyncset.s32 @!p0 $0xFFFFF086;
	s6 =	sadd.s32 @!p0 s3, s7;
	s7 =	simm.s32 @!p0 $0x108  }
0x21: {  	s3 =	sadd.s32 s3, s9;
	s6 =	sadd.s32 @!p0 $0x88, s6;
	s7 =	simm.s32 @p2 $0x1082  }
0x22: {  	[simem:s7], [sflag:s8] =	dma.local @!p0 [hbm:s6], $0xF7A  }
0x23: {  	s9 =	sor.u32 $0xD0000000, s2;
	s6 =	simm.s32 $0x108;
	_ =	swait.ge @!p0 [sflag:s8], $0x0  }
0x24: {  	s3 =	sadd.s32 $0x88, s3;
	s6 =	simm.s32 @!p1 $0x1082;
	[sflag:s4] =	ssyncset.s32 $0xFFFFF086  }
0x25: {  	[simem:s6], [sflag:s4] =	dma.local [hbm:s3], $0xF7A  }
0x26: {  	[smem:$0x3F9F] =	sst s1;
	(tag) =	ssettag s2;
	_ =	strace s9  }
0x27: {  	s1 =	sld [smem:$0x3FAF]  }
0x28: {  	s2 =	sld [smem:$0x3FB0]  }
0x29: {  	s4 =	sld [smem:$0x3FB2]  }
0x2a: {  	p0 =	seq.s32 s5, $0x0;
	s5 =	sld [smem:$0x3FB3]  }
0x2b: {  	s6 =	sld [smem:$0x3FB4]  }
0x2c: {  	s7 =	sld [smem:$0x3FB5]  }
0x2d: {  	s3 =	simm.s32 $0x108;
	s8 =	sld [smem:$0x3FB6]  }
0x2e: {  	s3 =	simm.s32 @!p0 $0x1082;
	s9 =	sld [smem:$0x3FB7]  }
0x2f: {  	lr =	sadd.s32 s0, s3;
	s0 =	sld [smem:$0x3FAE]  }
0x30: {  	s3 =	sld [smem:$0x3FB1]  }
0x31: {  	[smem:$0x3FBA] =	sst s10  }
0x32: {  	s10 =	sld [smem:$0x3FB8];
	_ =	sdelay $0x3  }
0x33: {  	p0 =	seq.s32 s10, $0x1;
	s10 =	sld [smem:$0x3FBA];
	_ =	sdelay $0x3  }
0x34: {  	[smem:$0x3FBA] =	sst s10  }
0x35: {  	s10 =	sld [smem:$0x3FB9];
	_ =	sdelay $0x3  }
0x36: {  	p1 =	seq.s32 s10, $0x1;
	s10 =	sld [smem:$0x3FBA];
	_ =	sdelay $0x3  }
0x37: {  	[smem:$0x3FBA] =	sst s10  }
0x38: {  	s10 =	sld [smem:$0x3FBB]  }
0x39: {  	_ = 	snop;
	(pc) =	sbr.ind lr, $3  }
0x3a: {  	_ = 	snop  }
0x3b: {  	_ = 	snop  }
0x3c: {  	p2 =	seq.s32 s10, $0x1;
	s10 =	sld [smem:$0x3FBA]  }
0x3d: {  	_ =	shalt  }
0x3e: {  	_ =	shalt  }
0x3f: {  	_ =	shalt  }
0x40: {  	_ =	shalt  }
0x41: {  	_ =	shalt  }
0x42: {  	_ =	shalt  }
0x43: {  	_ =	shalt  }
0x44: {  	_ =	shalt  }
0x45: {  	_ =	shalt  }
0x46: {  	_ =	shalt  }
0x47: {  	_ =	shalt  }
0x48: {  	_ =	shalt  }
0x49: {  	_ =	shalt  }
0x4a: {  	_ =	shalt  }
0x4b: {  	_ =	shalt  }
0x4c: {  	_ =	shalt  }
0x4d: {  	_ =	shalt  }
0x4e: {  	_ =	shalt  }
0x4f: {  	_ =	shalt  }
0x50: {  	_ =	shalt  }
0x51: {  	_ =	shalt  }
0x52: {  	_ =	shalt  }
0x53: {  	_ =	shalt  }
0x54: {  	_ =	shalt  }
0x55: {  	_ =	shalt  }
0x56: {  	_ =	shalt  }
0x57: {  	_ =	shalt  }
0x58: {  	_ =	shalt  }
0x59: {  	_ =	shalt  }
0x5a: {  	_ =	shalt  }
0x5b: {  	_ =	shalt  }
0x5c: {  	_ =	shalt  }
0x5d: {  	_ =	shalt  }
0x5e: {  	_ =	shalt  }
0x5f: {  	_ =	shalt  }
0x60: {  	_ =	shalt  }
0x61: {  	_ =	shalt  }
0x62: {  	_ =	shalt  }
0x63: {  	_ =	shalt  }
0x64: {  	_ =	shalt  }
0x65: {  	_ =	shalt  }
0x66: {  	_ =	shalt  }
0x67: {  	_ =	shalt  }
0x68: {  	_ =	shalt  }
0x69: {  	_ =	shalt  }
0x6a: {  	_ =	shalt  }
0x6b: {  	_ =	shalt  }
0x6c: {  	_ =	shalt  }
0x6d: {  	_ =	shalt  }
0x6e: {  	_ =	shalt  }
0x6f: {  	_ =	shalt  }
0x70: {  	_ =	shalt  }
0x71: {  	_ =	shalt  }
0x72: {  	_ =	shalt  }
0x73: {  	_ =	shalt  }
0x74: {  	_ =	shalt  }
0x75: {  	_ =	shalt  }
0x76: {  	_ =	shalt  }
0x77: {  	_ =	shalt  }
0x78: {  	_ =	shalt  }
0x79: {  	_ =	shalt  }
0x7a: {  	_ =	shalt  }
0x7b: {  	_ =	shalt  }
0x7c: {  	_ =	shalt  }
0x7d: {  	_ =	shalt  }
0x7e: {  	_ =	shalt  }
0x7f: {  	_ =	shalt  }
0x80: {  	_ =	shalt  }
0x81: {  	_ =	shalt  }
0x82: {  	_ =	shalt  }
0x83: {  	_ =	shalt  }
0x84: {  	_ =	shalt  }
0x85: {  	_ =	shalt  }
0x86: {  	_ =	shalt  }
0x87: {  	_ =	shalt  }
.Lfunc_end0:
.L_simem_size_0:
called_computation_lowered:
.L_overlay_start_0:
0x88: {  	s2 =	sld [smem:$0x3FD9]  }
0x89: {  	s3 =	sld [smem:$0x3FFE];
	_ =	sdelay $0x1  }
0x8a: {  	s1 =	srdreg.scid  }
0x8b: {  	s0 =	sand.u32 $0x1, s1  }
0x8c: {  	s17 =	sshll.u32 s0, $0xA;
	s2 =	sadd.s32 s3, s2  }
0x8d: {  	s2 =	sadd.s32 s2, s17  }
0x8e: {  	[smem:$0x3FC6] =	sst s2  }
0x8f: {  	_ = 	snop  }
0x90: {  	s2 =	sld [smem:$0x3FC9]  }
0x91: {  	s18 =	sld [smem:$0x3FC8]  }
0x92: {  	s4 =	sld [smem:$0x3FD0];
	(tm) =	ssettm $0x1  }
0x93: {  	s5 =	sld [smem:$0x3FFB];
	_ =	sdelay $0x3  }
0x94: {  	_ =	strace s5  }
0x95: {  	s5 =	sld [smem:$0x3FFC];
	_ =	sdelay $0x3  }
0x96: {  	_ =	strace s5  }
0x97: {  	s5 =	sld [smem:$0x3FFD];
	_ =	sdelay $0x3  }
0x98: {  	_ =	strace s5  }
0x99: {  	_ =	strace $0x8FFFFFFF  }
0x9a: {  	s19 =	sld [smem:$0x3FDB];
	_ =	sdelay $0x1  }
0x9b: {  	s6 =	simm.s32 $_scs_section_size  }
0x9c: {  	s7 =	simm.s32 $_size__tile_overlayer_lowered;
	s8 =	simm.s32 $_tile_overlayer_lowered  }
0x9d: {  	s22 =	simm.s32 $0x1BFF;
	s21 =	sshll.u32 s8, $0x1;
	s5 =	sadd.s32 s6, s19  }
0x9e: {  	s9 =	simm.s32 $0x0;
	s20 =	sshll.u32 s7, $0x1;
	s7 =	sadd.s32 s21, s5  }
0x9f: {  	[timem:s9], [sflag:s22] =	dma.local [hbm:s7], s20  }
0xa0: {  	_ =	swait.ge [sflag:s22], s20  }
0xa1: {  	s6 =	ssub.s32 $0x0, s20;
	[sflag:s22] =	ssyncset.done $0x0  }
0xa2: {  	[sflag:s22] =	ssyncadd.s32 s6;
	_ =	sdelay $0x1  }
0xa3: {  	s23 =	simm.s32 $0x1B8B  }
0xa4: {  	_ =	swait.ge [sflag:s23], $0x1  }
0xa5: {  	[sflag:s23] =	ssyncset.done $0x0  }
0xa6: {  	s25 =	simm.s32 $0x1B8E;
	s24 =	sld [smem:$0x3FFE];
	[sflag:s23] =	ssyncadd.s32 $0xFFFFFFFF  }
0xa7: {  	s26 =	simm.s32 $execute0_lowered;
	[smem:$0x3FD2] =	sst s25  }
0xa8: {  	s7 =	sshll.u32 s26, $0x1;
	_ =	strace $0x80000046;
	[dreg:$0x1] =	wrdreg $0xFFFFFFFF  }
0xa9: {  	s28 =	simm.s32 $_size_execute0_lowered;
	s5 =	sadd.s32 s5, s7;
	[dreg:$0x0] =	wrdreg $0x0  }
0xaa: {  	s7 =	sshll.u32 s28, $0x1;
	[dreg:$0x2] =	wrdreg s5  }
0xab: {  	[dreg:$0x3] =	wrdreg s7  }
0xac: {  	[dreg:$0x4] =	wrdreg $0xC0  }
0xad: {  	_ =	task [dreg:s9], $0x5FFFF  }
0xae: {  	[dreg:$0x1] =	wrdreg $0xFFFFFFFF  }
0xaf: {  	[dreg:$0x0] =	wrdreg $0x60  }
0xb0: {  	[dreg:$0x2] =	wrdreg s2  }
0xb1: {  	[dreg:$0x3] =	wrdreg s18  }
0xb2: {  	[dreg:$0x4] =	wrdreg s24  }
0xb3: {  	[dreg:$0x5] =	wrdreg s4  }
0xb4: {  	[dreg:$0x6] =	wrdreg $0xA7000  }
0xb5: {  	[dreg:$0x7] =	wrdreg $0x9  }
0xb6: {  	_ =	task.clear_ibuf [dreg:s9], $0x8FFFF;
	_ =	strace $0x90000046  }
0xb7: {  	s29 =	simm.s32 $0x9;
	_ =	strace $0x80000048  }
0xb8: {  	_ =	swait.ge [sflag:s29], $0x1  }
0xb9: {  	[sflag:s29] =	ssyncadd.s32 $0xFFFFFFFF  }
0xba: {  	_ =	strace $0x90000048  }
0xbb: {  	_ =	sfence  }
0xbc: {  	s30 =	sld [smem:$0x0];
	_ =	sdelay $0x2  }
0xbd: {  	s31 =	sshll.u32 s1, $0xD;
	s1 =	sshrl.u32 s1, $0x2  }
0xbe: {  	s3 =	sand.u32 $0x4000, s31;
	s1 =	sadd.s32 s1, s30  }
0xbf: {  	s0 =	sor.u32 s3, s0;
	s1 =	sshll.u32 s1, $0x11  }
0xc0: {  	s0 =	sor.u32 s1, s0  }
0xc1: {  	s0 =	sadd.s32 $0x8F2B, s0  }
0xc2: {  	[sflag:s0] =	ssyncadd.remote.s32 $0x1  }
0xc3: {  	_ =	sfence.sel $0xFFFF  }
0xc4: {  	[dreg:$0x0] =	wrdreg $0xFFFFFFFF;
	(pc) =	sbr.abs _section_cstart, $3  }
0xc5: {  	[dreg:$0x1] =	wrdreg $0xFFFFFFFF  }
0xc6: {  	_ =	task.clear_ibuf [dreg:s9], $0x2FFFF;
	_ =	strace $0x9FFFFFFF  }
0xc7: {  	(tm) =	ssettm $0x7FFFFFFF  }
tec
execute0_lowered:
.L_overlay_start_1:
0x0: {  	(tag) =	ssettag $0x1  }
0x1: {  	s6 =	rddreg [dreg:$0x0]  }
0x2: {  	s8 =	rddreg [dreg:$0x1]  }
0x3: {  	s4 =	rddreg [dreg:$0x2]  }
0x4: {  	s9 =	rddreg [dreg:$0x3]  }
0x5: {  	s2 =	rddreg [dreg:$0x4]  }
0x6: {  	s0 =	rddreg [dreg:$0x5]  }
0x7: {  	s3 =	simm.s32 $0x0;
	s1 =	stileid.u32;
	s5 =	srdreg.scid  }
0x8: {  	s16 =	simm.s32 $0x8700;
	s17 =	simm.s32 $0x5;
	s18 =	simm.s32 $0x1  }
0x9: {  	s19 =	simm.s32 $0x8300;
	[smem:$0x7FF] =	sst s3;
	s7 =	sshll.u32 s1, $0xA  }
0xa: {  	s10 =	sand.u32 $0x1, s5;
	s25 =	sshll.u32 s1, $0x5;
	s28 =	sshll.u32 s1, $0xD  }
0xb: {  	s29 =	sshll.u32 s1, $0x4;
	_ =	strace $0x80000047;
	s11 =	sadd.s32 s7, s4  }
0xc: {  	s20 =	sshll.u32 s10, $0x4;
	s5 =	ssub.s32 $0x2, s10;
	s4 =	sshll.u32 s1, $0x6  }
0xd: {  	s10 =	sshll.u32 s10, $0xE;
	s12 =	sor.u32 s1, s20;
	s21 =	sshrl.u32 s5, $0x1  }
0xe: {  	s14 =	sand.u32 $0x40, s4;
	s10 =	sadd.s32 s10, s11;
	s20 =	simm.s32 $0x2  }
0xf: {  	s13 =	sshll.u32 s12, $0x6;
	s15 =	ssub.s32 s5, s21;
	s23 =	sadd.s32 s8, s14  }
0x10: {  	s24 =	sshll.u32 s12, $0xC;
	s26 =	sshll.u32 s12, $0x5;
	s12 =	sshll.u32 s12, $0x7  }
0x11: {  	s10 =	sadd.s32 $0x1000, s10;
	s21 =	simm.s32 $0x80;
	s22 =	sand.u32 $0x780, s13  }
0x12: {  	s6 =	sadd.s32 s6, s24;
	s13 =	sand.u32 $0x60, s25;
	s14 =	sand.u32 $0x380, s26  }
0x13: {  	s30 =	sand.u32 $0xC00, s12;
	s12 =	smax.u32 s15, $0x1;
	s15 =	simm.s32 $0x8000  }
0x14: {  	s24 =	simm.s32 $0x4;
	s25 =	simm.s32 $0x400;
	s26 =	simm.s32 $0x0  }
0x15: {  	s5 =	sadd.s32 s22, s23;
	s7 =	sadd.s32 $0x800, s6;
	s8 =	sadd.s32 s8, s13  }
0x16: {  	s13 =	simm.s32 $0x8100;
	s8 =	sadd.s32 s14, s8;
	s14 =	sand.u32 $0x70, s29  }
0x17: {  	s22 =	simm.s32 $0x3;
	s23 =	simm.s32 $0x8080;
	s31 =	sadd.s32 s9, s14  }
0x18: {  	v0 =	vimm.f32 $0.0e+00;
	v1 =	vimm.f32 $1.000000000e+00;
	s9 =	sadd.s32 s28, s2;
	s14 =	simm.s32 $0x4000;
	s11 =	sadd.s32 s30, s31  }
.LBB2_1:
0x19: {  	[tilespmem:s13], [sflag:$0x1] =	stream.linear.gather [hbm4b:s5+s3], $0x200, $0x38;
	[tilespmem:$0xC700] =	vst v63  }
0x1a: {  	_ = 	snop  }
0x1b: {  	[tilespmem:s3], [sflag:$0x2] =	stream.linear.gather [hbm4b:s6+s3], $0x4000, $0x38;
	[tilespmem:$0xC700] =	vst v63  }
0x1c: {  	_ = 	snop  }
0x1d: {  	[tilespmem:s14], [sflag:$0x3] =	stream.linear.gather [hbm4b:s7+s3], $0x4000, $0x38;
	[tilespmem:$0xC700] =	vst v63  }
0x1e: {  	s28 =	simm.s32 $0x0;
	s29 =	simm.s32 $0x200  }
0x1f: {  	[tilespmem:s15], [sflag:$0x1] =	stream.linear.gather [hbm4b:s8+s3], $0x100, $0x38;
	[tilespmem:$0xC700] =	vst v63  }
.LBB2_2:
0x20: {  	p0 =	sne.s32 s29, $0x7E00;
	[tilespmem:s28+$0x8770] =	vst v0  }
0x21: {  	[tilespmem:s28+$0x8700] =	vst v0  }
0x22: {  	[tilespmem:s28+$0x8710] =	vst v0  }
.Ltmp0:
0x23: {  	[tilespmem:s28+$0x8720] =	vst v0;
	(pc) =	sbr.rel @p0 .LBB2_2-.Ltmp0, $4  }
0x24: {  	[tilespmem:s28+$0x8730] =	vst v0  }
0x25: {  	[tilespmem:s28+$0x8740] =	vst v0  }
0x26: {  	[tilespmem:s28+$0x8750] =	vst v0  }
0x27: {  	[tilespmem:s28+$0x8760] =	vst v0;
	s28 =	sshra.s32 s29, $0x2;
	s29 =	sadd.s32 $0x200, s29  }
0x28: {  	[tilespmem:s28+$0x8770] =	vst v0  }
0x29: {  	[tilespmem:s28+$0x8700] =	vst v0  }
0x2a: {  	[tilespmem:s28+$0x8710] =	vst v0  }
0x2b: {  	[tilespmem:s28+$0x8720] =	vst v0  }
0x2c: {  	[tilespmem:s28+$0x8730] =	vst v0  }
0x2d: {  	[tilespmem:s28+$0x8740] =	vst v0  }
0x2e: {  	[tilespmem:s28+$0x8750] =	vst v0  }
0x2f: {  	[tilespmem:s28+$0x8760] =	vst v0;
	s28 =	simm.s32 $0x40;
	s29 =	simm.s32 $0x0  }
.LBB2_4:
0x30: {  	p0 =	sne.s32 s28, $0xFC0;
	[tilespmem:s29+$0x8300] =	vst v0;
	s29 =	smov.u32 s28;
	s28 =	sadd.s32 $0x40, s28  }
.Ltmp1:
0x31: {  	(pc) =	sbr.rel @p0 .LBB2_4-.Ltmp1, $2  }
0x32: {  	_ =	sdelay $0x2  }
0x33: {  	s29 =	sshra.s32 s29, $0x2  }
0x34: {  	[tilespmem:s29+$0x8300] =	vst v0  }
0x35: {  	[spmem:s9] =	stream.linear.scatter [tilespmem:s16], [sflag:$0x5], $0x2000, $0x38;
	[tilespmem:$0xC700] =	vst v63  }
0x36: {  	_ =	swait.ge [sflag:s17], $0x2000  }
0x37: {  	[sflag:s17] =	ssyncset.done $0x0  }
0x38: {  	s28 =	simm.s32 $0x0;
	[sflag:s17] =	ssyncadd.s32 $0xFFFFE000  }
0x39: {  	s29 =	sand.u32 $0x600, s28;
	_ =	swait.ge [sflag:s18], $0x200  }
0x3a: {  	s28 =	sand.u32 $0x70, s28;
	s29 =	sshrl.u32 s29, $0x2;
	[sflag:s18] =	ssyncset.done $0x0  }
0x3b: {  	s28 =	sor.u32 s28, s29;
	[sflag:s18] =	ssyncadd.s32 $0xFFFFFE00  }
0x3c: {  	v2 =	vld [tilespmem:s28+$0x8100];
	_ =	sdelay $0x4  }
0x3d: {  	s30 =	simm.s32 $0x40  }
0x3e: {  	s30 =	sand.u32 $0x600, s30;
	s29 =	simm.s32 $0x80;
	s28 =	simm.s32 $0x10  }
.LBB2_6:
0x3f: {  	p0 =	sne.s32 s29, $0x7C0;
	s31 =	sand.u32 $0x70, s28;
	s30 =	sshrl.u32 s30, $0x2  }
0x40: {  	s30 =	sor.u32 s31, s30;
	[tilespmem:v2+s19+$0x0] =	vst.idx.add.f32.msk $0xffff, v1  }
0x41: {  	v2 =	vld [tilespmem:s30+$0x8100];
	_ =	sdelay $0x1  }
.Ltmp2:
0x42: {  	(pc) =	sbr.rel @p0 .LBB2_6-.Ltmp2, $2  }
0x43: {  	_ =	sdelay $0x2  }
0x44: {  	s28 =	sadd.s32 $0x10, s28;
	s30 =	sand.u32 $0x600, s29;
	s29 =	sadd.s32 $0x40, s29  }
0x45: {  	_ =	sdelay $0x2  }
0x46: {  	s28 =	sand.u32 $0x70, s28;
	s29 =	sshrl.u32 s30, $0x2  }
0x47: {  	[tilespmem:v2+s19+$0x0] =	vst.idx.add.f32.msk $0xffff, v1;
	s28 =	sor.u32 s28, s29  }
0x48: {  	v2 =	vld [tilespmem:s28+$0x8100];
	_ =	sdelay $0x7  }
0x49: {  	[tilespmem:v2+s19+$0x0] =	vst.idx.add.f32.msk $0xffff, v1  }
0x4a: {  	_ =	swait.ge [sflag:s18], $0x100  }
0x4b: {  	[sflag:s18] =	ssyncset.done $0x0  }
0x4c: {  	[sflag:s18] =	ssyncadd.s32 $0xFFFFFF00  }
0x4d: {  	[bflag:$0x0] =	sbarrier.arrive $0xFFFF  }
0x4e: {  	_ =	swait.ge [sflag:s20], $0x4000  }
0x4f: {  	[sflag:s20] =	ssyncset.done $0x0  }
0x50: {  	[sflag:s20] =	ssyncadd.s32 $0xFFFFC000  }
0x51: {  	[spmem:s2] =	stream.indirect.scatter.add.f32 [tilespmem:s3], [sflag:$0x4], $0x80, s15, s21, $0xb8;
	[tilespmem:$0xC700] =	vst v63  }
0x52: {  	_ =	swait.ge [sflag:s22], $0x4000  }
0x53: {  	[sflag:s22] =	ssyncset.done $0x0  }
0x54: {  	[sflag:s22] =	ssyncadd.s32 $0xFFFFC000  }
0x55: {  	[spmem:s2] =	stream.indirect.scatter.add.f32 [tilespmem:s14], [sflag:$0x4], $0x80, s23, s21, $0xb8;
	[tilespmem:$0xC700] =	vst v63  }
0x56: {  	_ =	swait.ge [sflag:s24], $0x4000  }
0x57: {  	[sflag:s24] =	ssyncset.done $0x0  }
0x58: {  	[sflag:s24] =	ssyncadd.s32 $0xFFFFC000  }
0x59: {  	_ =	swait.ge [sflag:s24], $0x4000  }
0x5a: {  	[sflag:s24] =	ssyncset.done $0x0  }
0x5b: {  	[sflag:s24] =	ssyncadd.s32 $0xFFFFC000  }
0x5c: {  	s30 =	sor.u32 $0x1C05, s4;
	s31 =	sshrl.u32 s9, $0x3;
	[bflag:$0x0] =	sbarrier.arrive $0xFFFF  }
0x5d: {  	[hbm:s10], [sflag:s30] =	dma.local [spmem:s31], $0x400  }
0x5e: {  	s26 =	sadd.s32 $0x1, s26;
	_ =	swait.ge [sflag:s17], $0x400  }
0x5f: {  	p0 =	sne.s32 s26, s12;
	[sflag:s17] =	ssyncset.done $0x0  }
.Ltmp3:
0x60: {  	[sflag:s17] =	ssyncadd.s32 $0xFFFFFC00;
	(pc) =	sbr.rel @p0 .LBB2_1-.Ltmp3, $4  }
0x61: {  	[hbm4b:s11+s21] =	stream.strided.scatter [tilespmem:s19], [sflag:$0x5], $0x400, s25, s21, $0x38;
	[tilespmem:$0xC700] =	vst v63  }
0x62: {  	_ =	swait.ge [sflag:s17], $0x400  }
0x63: {  	[sflag:s17] =	ssyncset.done $0x0  }
0x64: {  	[sflag:s17] =	ssyncadd.s32 $0xFFFFFC00  }
0x65: {  	_ =	sfence.sel $0x180000  }
0x66: {  	[bflag:$0x0] =	sbarrier.arrive $0xFFFF  }
0x67: {  	p0 =	sne.s32 s1, $0x0;
	_ =	strace $0x90000047  }
0x68: {  	s0 =	sadd.s32 @!p0 $0x100000, s0;
	[bflag:$0x2] =	sbarrier.arrive $0xFFFF  }
0x69: {  	[sflag:s0] =	ssyncadd.tile.s32 @!p0 $0x1;
	_ =	shalt  }
.Lfunc_end2:
_tile_overlayer_lowered:
.L_overlay_start_2:
0x6a: {  	(tag) =	ssettag $0x2  }
0x6b: {  	s0 =	rddreg [dreg:$0x0];
	s2 =	stileid.u32  }
0x6c: {  	s1 =	rddreg [dreg:$0x1];
	p0 =	sne.s32 s2, $0x0  }
0x6d: {  	s3 =	rddreg [dreg:$0x2];
	[bflag:$0x3] =	sbarrier.arrive $0xFFFF;
	s2 =	simm.s32 @!p0 $0x1C05  }
0x6e: {  	[timem:s3], [sflag:s2] =	dma.local @!p0 [hbm:s0], s1  }
0x6f: {  	s0 =	simm.s32 @!p0 $0x5  }
0x70: {  	_ =	swait.ge @!p0 [sflag:s0], s1  }
0x71: {  	s1 =	ssub.s32 @!p0 $0x0, s1;
	[sflag:s0] =	ssyncset.done @!p0 $0x0  }
0x72: {  	[sflag:s0] =	ssyncadd.s32 @!p0 s1  }
0x73: {  	[bflag:$0x3] =	sbarrier.arrive $0xFFFF  }
0x74: {  	_ =	shalt  }

</sc_bundles>
